<compile_context>
chip_gen: v7x
topology: tpu7x:2x2x1
jax: 0.10.2.dev20260603
libtpu: 0.0.44.dev20260713+nightly
codegen_flags: <defaults>
</compile_context>

<pallas_src>
import functools

import jax
import jax.numpy as jnp
from jax import lax
from jax.experimental import pallas as pl
from jax.experimental.pallas import tpu as pltpu
from jax.experimental.pallas import tpu_sc as plsc

LOG = 17
NV = 100000
NV_PAD = 102400
LANES = 128

NC, NS, L = 2, 16, 16
NW = NC * NS


def _pack_body(mp_ref, x_ref, out_ref, x128_ref):
    m = mp_ref[...].astype(jnp.bfloat16)
    w = (jnp.int32(1 << (LOG - 1)) >>
         lax.broadcasted_iota(jnp.int32, (1, LOG), 1)).astype(jnp.bfloat16)
    dn = (((1,), (1,)), ((), ()))
    r = lax.dot_general(w, m, dn, preferred_element_type=jnp.float32)
    out_ref[...] = r.astype(jnp.int32).reshape(out_ref.shape)
    xb = x_ref[...]
    pad = jnp.zeros((xb.shape[0], LANES - xb.shape[1]), jnp.int32)
    x128_ref[...] = jnp.concatenate([xb, pad], axis=1)


def _pack(mapping, x):
    grid = 4
    bblk = NV_PAD // grid
    xblk = x.shape[0] // grid
    nl = x.shape[1]
    return pl.pallas_call(
        _pack_body,
        grid=(grid,),
        in_specs=[pl.BlockSpec((bblk, LOG), lambda i: (i, 0)),
                  pl.BlockSpec((xblk, nl), lambda i: (i, 0))],
        out_specs=[pl.BlockSpec((bblk,), lambda i: (i,)),
                   pl.BlockSpec((xblk, LANES), lambda i: (i, 0))],
        out_shape=[jax.ShapeDtypeStruct((NV_PAD,), jnp.int32),
                   jax.ShapeDtypeStruct((x.shape[0], LANES), jnp.int32)],
    )(mapping, x)


def _make_sc_gather(n_flat):
    per_w = n_flat // NW
    rows_chunk = 32
    chunk = rows_chunk * LANES
    n_chunks = per_w // chunk
    mesh = plsc.VectorSubcoreMesh(core_axis_name="c", subcore_axis_name="s")

    @functools.partial(
        pl.kernel,
        out_type=jax.ShapeDtypeStruct((n_flat,), jnp.int32),
        mesh=mesh,
        compiler_params=pltpu.CompilerParams(needs_layout_passes=False),
        scratch_types=[
            pltpu.VMEM((NV_PAD,), jnp.int32),
            pltpu.VMEM((chunk,), jnp.int32),
            pltpu.VMEM((chunk,), jnp.int32),
        ],
    )
    def sc_gather(packed_hbm, xf_hbm, g_hbm, table_v, idx_v, out_v):
        wid = lax.axis_index("s") * NC + lax.axis_index("c")
        pltpu.sync_copy(packed_hbm, table_v)
        base = wid * per_w

        def chunk_body(k, carry):
            off = base + k * chunk
            pltpu.sync_copy(xf_hbm.at[pl.ds(off, chunk)], idx_v)

            def row_body(r, c2):
                for q in range(4):
                    o = r * LANES + q * L
                    v = idx_v[pl.ds(o, L)]
                    out_v[pl.ds(o, L)] = plsc.load_gather(table_v, [v])
                return c2

            lax.fori_loop(0, rows_chunk, row_body, 0, unroll=4)
            pltpu.sync_copy(out_v, g_hbm.at[pl.ds(off, chunk)])
            return carry

        lax.fori_loop(0, n_chunks, chunk_body, 0)

    return sc_gather


def _unpack_body(g_ref, out_ref):
    g = g_ref[...]
    nl = out_ref.shape[1] // LOG
    nc = out_ref.shape[1]
    lo = (g & 63).astype(jnp.bfloat16)
    mid = ((g >> 6) & 63).astype(jnp.bfloat16)
    hi = ((g >> 12) & 31).astype(jnp.bfloat16)
    cat = jnp.concatenate([lo, mid, hi], axis=1)
    r_i = lax.broadcasted_iota(jnp.int32, (3 * LANES, nc), 0)
    c_i = lax.broadcasted_iota(jnp.int32, (3 * LANES, nc), 1)
    lane = r_i % LANES
    band = ((c_i // LOG) == lane) & (lane < nl)
    e = 6 * (r_i // LANES) - ((LOG - 1) - c_i % LOG)
    w_f32 = lax.bitcast_convert_type((e + 127) << 23, jnp.float32)
    w = jnp.where(band, w_f32, 0.0).astype(jnp.bfloat16)
    dn = (((1,), (0,)), ((), ()))
    r = lax.dot_general(cat, w, dn, preferred_element_type=jnp.float32)
    out_ref[...] = (r.astype(jnp.int32) & 1) + 1


def _unpack(g128, b, nl):
    bblk = 2048
    return pl.pallas_call(
        _unpack_body,
        grid=(b // bblk,),
        in_specs=[pl.BlockSpec((bblk, LANES), lambda i: (i, 0))],
        out_specs=pl.BlockSpec((bblk, nl * LOG), lambda i: (i, 0)),
        out_shape=jax.ShapeDtypeStruct((b, nl * LOG), jnp.int32),
    )(g128)


def kernel(x, mapping):
    b, nl = x.shape
    packed, x128 = _pack(mapping, x)
    xf = x128.reshape(b * LANES)
    g = _make_sc_gather(b * LANES)(packed, xf)
    g128 = g.reshape(b, LANES)
    out = _unpack(g128, b, nl)
    z = jnp.zeros((b, nl * LOG), jnp.float32)
    return (out, z, z)

# --- scband reference (transcript-rebuilt; emitter-appended) ---
"""Pipeline reference for scband-hash-sender-19731079758010 (READ-ONLY COPY).

The authoritative reference and input builder live on the scoring server;
editing this copy changes nothing except your own understanding.
"""

import jax, jax.numpy as jnp
import numpy as np

N_VALUES = 100000
BASE = 2

def _compute_log(n_values, base):
    log = 0
    k = 1
    while k < n_values:
        k *= base
        log += 1
    return log

LOG = _compute_log(N_VALUES, BASE)

def _make_mapping():
    # Equivalent to random.sample over all base**LOG base-ary messages:
    # sample n_values unique integers in [0, base**LOG) and expand to digits.
    rng = np.random.default_rng(0)
    codes = rng.choice(BASE ** LOG, size=N_VALUES, replace=False)
    digits = np.zeros((N_VALUES, LOG), dtype=np.float32)
    for i in range(LOG):
        digits[:, i] = (codes // (BASE ** (LOG - 1 - i))) % BASE
    assert (digits < BASE).all()
    return jnp.asarray(digits, dtype=jnp.float32)

def setup_inputs(seed: int = 0) -> dict:
    key = jax.random.key(seed)
    x = jax.random.randint(key, (16384, 50), 0, N_VALUES, dtype=jnp.int32)
    mapping = _make_mapping()  # [N_VALUES, LOG] float32 (nn.Embedding weight)
    return {"x": x, "mapping": mapping}

def reference(x, mapping):
    batch_size = x.shape[0]
    # with torch.no_grad(): x = self.mapping(x).long()
    m = jnp.take(mapping, x, axis=0).astype(jnp.int32)  # [B, L, LOG]
    m = m.reshape(batch_size, -1)  # [B, L*LOG]
    zeros = jnp.zeros((m.shape[0], m.shape[1]), dtype=jnp.float32)
    return (m + 1, zeros, zeros)

if __name__ == "__main__":
    import jax
    _d = setup_inputs()
    print(jax.jit(kernel)(*tuple(_d.values())))

</pallas_src>

<mosaic_0001>
#map = affine_map<(d0, d1) -> (0)>
module attributes {stable_mosaic.version = 14 : i64} {
  func.func @sc_gather(%arg0: i32, %arg1: i32, %arg2: memref<102400xi32, #tpu.memory_space<hbm>>, %arg3: memref<2097152xi32, #tpu.memory_space<hbm>>, %arg4: memref<2097152xi32, #tpu.memory_space<hbm>>, %arg5: memref<102400xi32, #tpu.memory_space<vmem>>, %arg6: memref<4096xi32, #tpu.memory_space<vmem>>, %arg7: memref<4096xi32, #tpu.memory_space<vmem>>) attributes {dimension_semantics = [#tpu.dimension_semantics<core_parallel>, #tpu.dimension_semantics<subcore_parallel>], iteration_bounds = array<i64: 2, 16>, scalar_prefetch = 0 : i64, scratch_operands = 3 : i64, tpu.core_type = #tpu.core_type<sc_vector_subcore>, window_params = [{transform_indices = #map}, {transform_indices = #map}, {transform_indices = #map}]} {
    %mul3A = arith.constant 2 : i32
    %mul3A_0 = arith.muli %arg1, %mul3A : i32
    %add3A = arith.addi %mul3A_0, %arg0 : i32
    "tpu.region"() ({
      %run_scoped3A = tpu.sem_alloc : memref<!tpu.dma_semaphore, #tpu.memory_space<semaphore_mem>>
      tpu.enqueue_dma source(%arg2 : memref<102400xi32, #tpu.memory_space<hbm>>) target(%arg5 : memref<102400xi32, #tpu.memory_space<vmem>>) target_semaphore(%run_scoped3A : memref<!tpu.dma_semaphore, #tpu.memory_space<semaphore_mem>>)
      tpu.wait_dma2 semaphore(%run_scoped3A : memref<!tpu.dma_semaphore, #tpu.memory_space<semaphore_mem>>) src(%arg2 : memref<102400xi32, #tpu.memory_space<hbm>>) dst(%arg5 : memref<102400xi32, #tpu.memory_space<vmem>>)
      tpu.yield
    }) : () -> ()
    %mul3A_1 = arith.constant 65536 : i32
    %mul3A_2 = arith.muli %add3A, %mul3A_1 : i32
    %scan3A = arith.constant 0 : i32
    %scan3A_3 = arith.constant 0 : i32
    %scan3A_4 = arith.constant 16 : i32
    %scan3A_5 = arith.addi %scan3A_3, %scan3A_4 : i32
    %scan3A_6 = arith.constant 1 : i32
    scf.for %scan3A_8 = %scan3A_3 to %scan3A_5 step %scan3A_6  : i32 {
      %mul3A_9 = arith.constant 4096 : i32
      %mul3A_10 = arith.muli %scan3A_8, %mul3A_9 : i32
      %add3A_11 = arith.addi %mul3A_2, %mul3A_10 : i32
      "tpu.region"() ({
        %run_scoped3A = tpu.sem_alloc : memref<!tpu.dma_semaphore, #tpu.memory_space<semaphore_mem>>
        %dma_start3A = tpu.memref_slice %arg3[%add3A_11] : memref<2097152xi32, #tpu.memory_space<hbm>> -> memref<4096xi32, #tpu.memory_space<hbm>>
        %dma_start3A_18 = tpu.memref_slice %arg3[%add3A_11] : memref<2097152xi32, #tpu.memory_space<hbm>> -> memref<4096xi32, #tpu.memory_space<hbm>>
        tpu.enqueue_dma source(%dma_start3A_18 : memref<4096xi32, #tpu.memory_space<hbm>>) target(%arg6 : memref<4096xi32, #tpu.memory_space<vmem>>) target_semaphore(%run_scoped3A : memref<!tpu.dma_semaphore, #tpu.memory_space<semaphore_mem>>)
        %dma_wait3A = tpu.memref_slice %arg3[%add3A_11] : memref<2097152xi32, #tpu.memory_space<hbm>> -> memref<4096xi32, #tpu.memory_space<hbm>>
        %dma_wait3A_19 = tpu.memref_slice %arg3[%add3A_11] : memref<2097152xi32, #tpu.memory_space<hbm>> -> memref<4096xi32, #tpu.memory_space<hbm>>
        tpu.wait_dma2 semaphore(%run_scoped3A : memref<!tpu.dma_semaphore, #tpu.memory_space<semaphore_mem>>) src(%dma_wait3A_19 : memref<4096xi32, #tpu.memory_space<hbm>>) dst(%arg6 : memref<4096xi32, #tpu.memory_space<vmem>>)
        tpu.yield
      }) : () -> ()
      %scan3A_12 = arith.constant 0 : i32
      %scan3A_13 = arith.constant 0 : i32
      %scan3A_14 = arith.constant 32 : i32
      %scan3A_15 = arith.addi %scan3A_13, %scan3A_14 : i32
      %scan3A_16 = arith.constant 4 : i32
      scf.for %scan3A_18 = %scan3A_13 to %scan3A_15 step %scan3A_16  : i32 {
        %mul3A_19 = arith.constant 128 : i32
        %mul3A_20 = arith.muli %scan3A_18, %mul3A_19 : i32
        %add3A_21 = arith.constant 0 : i32
        %add3A_22 = arith.addi %mul3A_20, %add3A_21 : i32
        %get3A = arith.index_cast %add3A_22 : i32 to index
        %get3A_23 = tpu.vector_load %arg6[%get3A] {strides = array<i32>} : memref<4096xi32, #tpu.memory_space<vmem>>, vector<16xi32>,
        %gather3A = tpu.vector_load_idx %arg5[%get3A_23] : memref<102400xi32, #tpu.memory_space<vmem>>[vector<16xi32>], vector<16xi32>,
        %swap3A = arith.index_cast %add3A_22 : i32 to index
        %swap3A_24 = tpu.vector_load %arg7[%swap3A] {strides = array<i32>} : memref<4096xi32, #tpu.memory_space<vmem>>, vector<16xi32>,
        tpu.vector_store %arg7[%swap3A], %gather3A {strides = array<i32>} : memref<4096xi32, #tpu.memory_space<vmem>>, vector<16xi32>,
        %mul3A_25 = arith.constant 128 : i32
        %mul3A_26 = arith.muli %scan3A_18, %mul3A_25 : i32
        %add3A_27 = arith.constant 16 : i32
        %add3A_28 = arith.addi %mul3A_26, %add3A_27 : i32
        %get3A_29 = arith.index_cast %add3A_28 : i32 to index
        %get3A_30 = tpu.vector_load %arg6[%get3A_29] {strides = array<i32>} : memref<4096xi32, #tpu.memory_space<vmem>>, vector<16xi32>,
        %gather3A_31 = tpu.vector_load_idx %arg5[%get3A_30] : memref<102400xi32, #tpu.memory_space<vmem>>[vector<16xi32>], vector<16xi32>,
        %swap3A_32 = arith.index_cast %add3A_28 : i32 to index
        %swap3A_33 = tpu.vector_load %arg7[%swap3A_32] {strides = array<i32>} : memref<4096xi32, #tpu.memory_space<vmem>>, vector<16xi32>,
        tpu.vector_store %arg7[%swap3A_32], %gather3A_31 {strides = array<i32>} : memref<4096xi32, #tpu.memory_space<vmem>>, vector<16xi32>,
        %mul3A_34 = arith.constant 128 : i32
        %mul3A_35 = arith.muli %scan3A_18, %mul3A_34 : i32
        %add3A_36 = arith.constant 32 : i32
        %add3A_37 = arith.addi %mul3A_35, %add3A_36 : i32
        %get3A_38 = arith.index_cast %add3A_37 : i32 to index
        %get3A_39 = tpu.vector_load %arg6[%get3A_38] {strides = array<i32>} : memref<4096xi32, #tpu.memory_space<vmem>>, vector<16xi32>,
        %gather3A_40 = tpu.vector_load_idx %arg5[%get3A_39] : memref<102400xi32, #tpu.memory_space<vmem>>[vector<16xi32>], vector<16xi32>,
        %swap3A_41 = arith.index_cast %add3A_37 : i32 to index
        %swap3A_42 = tpu.vector_load %arg7[%swap3A_41] {strides = array<i32>} : memref<4096xi32, #tpu.memory_space<vmem>>, vector<16xi32>,
        tpu.vector_store %arg7[%swap3A_41], %gather3A_40 {strides = array<i32>} : memref<4096xi32, #tpu.memory_space<vmem>>, vector<16xi32>,
        %mul3A_43 = arith.constant 128 : i32
        %mul3A_44 = arith.muli %scan3A_18, %mul3A_43 : i32
        %add3A_45 = arith.constant 48 : i32
        %add3A_46 = arith.addi %mul3A_44, %add3A_45 : i32
        %get3A_47 = arith.index_cast %add3A_46 : i32 to index
        %get3A_48 = tpu.vector_load %arg6[%get3A_47] {strides = array<i32>} : memref<4096xi32, #tpu.memory_space<vmem>>, vector<16xi32>,
        %gather3A_49 = tpu.vector_load_idx %arg5[%get3A_48] : memref<102400xi32, #tpu.memory_space<vmem>>[vector<16xi32>], vector<16xi32>,
        %swap3A_50 = arith.index_cast %add3A_46 : i32 to index
        %swap3A_51 = tpu.vector_load %arg7[%swap3A_50] {strides = array<i32>} : memref<4096xi32, #tpu.memory_space<vmem>>, vector<16xi32>,
        tpu.vector_store %arg7[%swap3A_50], %gather3A_49 {strides = array<i32>} : memref<4096xi32, #tpu.memory_space<vmem>>, vector<16xi32>,
        %scan3A_52 = arith.constant 1 : i32
        %scan3A_53 = arith.addi %scan3A_18, %scan3A_52 : i32
        %mul3A_54 = arith.constant 128 : i32
        %mul3A_55 = arith.muli %scan3A_53, %mul3A_54 : i32
        %add3A_56 = arith.constant 0 : i32
        %add3A_57 = arith.addi %mul3A_55, %add3A_56 : i32
        %get3A_58 = arith.index_cast %add3A_57 : i32 to index
        %get3A_59 = tpu.vector_load %arg6[%get3A_58] {strides = array<i32>} : memref<4096xi32, #tpu.memory_space<vmem>>, vector<16xi32>,
        %gather3A_60 = tpu.vector_load_idx %arg5[%get3A_59] : memref<102400xi32, #tpu.memory_space<vmem>>[vector<16xi32>], vector<16xi32>,
        %swap3A_61 = arith.index_cast %add3A_57 : i32 to index
        %swap3A_62 = tpu.vector_load %arg7[%swap3A_61] {strides = array<i32>} : memref<4096xi32, #tpu.memory_space<vmem>>, vector<16xi32>,
        tpu.vector_store %arg7[%swap3A_61], %gather3A_60 {strides = array<i32>} : memref<4096xi32, #tpu.memory_space<vmem>>, vector<16xi32>,
        %mul3A_63 = arith.constant 128 : i32
        %mul3A_64 = arith.muli %scan3A_53, %mul3A_63 : i32
        %add3A_65 = arith.constant 16 : i32
        %add3A_66 = arith.addi %mul3A_64, %add3A_65 : i32
        %get3A_67 = arith.index_cast %add3A_66 : i32 to index
        %get3A_68 = tpu.vector_load %arg6[%get3A_67] {strides = array<i32>} : memref<4096xi32, #tpu.memory_space<vmem>>, vector<16xi32>,
        %gather3A_69 = tpu.vector_load_idx %arg5[%get3A_68] : memref<102400xi32, #tpu.memory_space<vmem>>[vector<16xi32>], vector<16xi32>,
        %swap3A_70 = arith.index_cast %add3A_66 : i32 to index
        %swap3A_71 = tpu.vector_load %arg7[%swap3A_70] {strides = array<i32>} : memref<4096xi32, #tpu.memory_space<vmem>>, vector<16xi32>,
        tpu.vector_store %arg7[%swap3A_70], %gather3A_69 {strides = array<i32>} : memref<4096xi32, #tpu.memory_space<vmem>>, vector<16xi32>,
        %mul3A_72 = arith.constant 128 : i32
        %mul3A_73 = arith.muli %scan3A_53, %mul3A_72 : i32
        %add3A_74 = arith.constant 32 : i32
        %add3A_75 = arith.addi %mul3A_73, %add3A_74 : i32
        %get3A_76 = arith.index_cast %add3A_75 : i32 to index
        %get3A_77 = tpu.vector_load %arg6[%get3A_76] {strides = array<i32>} : memref<4096xi32, #tpu.memory_space<vmem>>, vector<16xi32>,
        %gather3A_78 = tpu.vector_load_idx %arg5[%get3A_77] : memref<102400xi32, #tpu.memory_space<vmem>>[vector<16xi32>], vector<16xi32>,
        %swap3A_79 = arith.index_cast %add3A_75 : i32 to index
        %swap3A_80 = tpu.vector_load %arg7[%swap3A_79] {strides = array<i32>} : memref<4096xi32, #tpu.memory_space<vmem>>, vector<16xi32>,
        tpu.vector_store %arg7[%swap3A_79], %gather3A_78 {strides = array<i32>} : memref<4096xi32, #tpu.memory_space<vmem>>, vector<16xi32>,
        %mul3A_81 = arith.constant 128 : i32
        %mul3A_82 = arith.muli %scan3A_53, %mul3A_81 : i32
        %add3A_83 = arith.constant 48 : i32
        %add3A_84 = arith.addi %mul3A_82, %add3A_83 : i32
        %get3A_85 = arith.index_cast %add3A_84 : i32 to index
        %get3A_86 = tpu.vector_load %arg6[%get3A_85] {strides = array<i32>} : memref<4096xi32, #tpu.memory_space<vmem>>, vector<16xi32>,
        %gather3A_87 = tpu.vector_load_idx %arg5[%get3A_86] : memref<102400xi32, #tpu.memory_space<vmem>>[vector<16xi32>], vector<16xi32>,
        %swap3A_88 = arith.index_cast %add3A_84 : i32 to index
        %swap3A_89 = tpu.vector_load %arg7[%swap3A_88] {strides = array<i32>} : memref<4096xi32, #tpu.memory_space<vmem>>, vector<16xi32>,
        tpu.vector_store %arg7[%swap3A_88], %gather3A_87 {strides = array<i32>} : memref<4096xi32, #tpu.memory_space<vmem>>, vector<16xi32>,
        %scan3A_90 = arith.constant 2 : i32
        %scan3A_91 = arith.addi %scan3A_18, %scan3A_90 : i32
        %mul3A_92 = arith.constant 128 : i32
        %mul3A_93 = arith.muli %scan3A_91, %mul3A_92 : i32
        %add3A_94 = arith.constant 0 : i32
        %add3A_95 = arith.addi %mul3A_93, %add3A_94 : i32
        %get3A_96 = arith.index_cast %add3A_95 : i32 to index
        %get3A_97 = tpu.vector_load %arg6[%get3A_96] {strides = array<i32>} : memref<4096xi32, #tpu.memory_space<vmem>>, vector<16xi32>,
        %gather3A_98 = tpu.vector_load_idx %arg5[%get3A_97] : memref<102400xi32, #tpu.memory_space<vmem>>[vector<16xi32>], vector<16xi32>,
        %swap3A_99 = arith.index_cast %add3A_95 : i32 to index
        %swap3A_100 = tpu.vector_load %arg7[%swap3A_99] {strides = array<i32>} : memref<4096xi32, #tpu.memory_space<vmem>>, vector<16xi32>,
        tpu.vector_store %arg7[%swap3A_99], %gather3A_98 {strides = array<i32>} : memref<4096xi32, #tpu.memory_space<vmem>>, vector<16xi32>,
        %mul3A_101 = arith.constant 128 : i32
        %mul3A_102 = arith.muli %scan3A_91, %mul3A_101 : i32
        %add3A_103 = arith.constant 16 : i32
        %add3A_104 = arith.addi %mul3A_102, %add3A_103 : i32
        %get3A_105 = arith.index_cast %add3A_104 : i32 to index
        %get3A_106 = tpu.vector_load %arg6[%get3A_105] {strides = array<i32>} : memref<4096xi32, #tpu.memory_space<vmem>>, vector<16xi32>,
        %gather3A_107 = tpu.vector_load_idx %arg5[%get3A_106] : memref<102400xi32, #tpu.memory_space<vmem>>[vector<16xi32>], vector<16xi32>,
        %swap3A_108 = arith.index_cast %add3A_104 : i32 to index
        %swap3A_109 = tpu.vector_load %arg7[%swap3A_108] {strides = array<i32>} : memref<4096xi32, #tpu.memory_space<vmem>>, vector<16xi32>,
        tpu.vector_store %arg7[%swap3A_108], %gather3A_107 {strides = array<i32>} : memref<4096xi32, #tpu.memory_space<vmem>>, vector<16xi32>,
        %mul3A_110 = arith.constant 128 : i32
        %mul3A_111 = arith.muli %scan3A_91, %mul3A_110 : i32
        %add3A_112 = arith.constant 32 : i32
        %add3A_113 = arith.addi %mul3A_111, %add3A_112 : i32
        %get3A_114 = arith.index_cast %add3A_113 : i32 to index
        %get3A_115 = tpu.vector_load %arg6[%get3A_114] {strides = array<i32>} : memref<4096xi32, #tpu.memory_space<vmem>>, vector<16xi32>,
        %gather3A_116 = tpu.vector_load_idx %arg5[%get3A_115] : memref<102400xi32, #tpu.memory_space<vmem>>[vector<16xi32>], vector<16xi32>,
        %swap3A_117 = arith.index_cast %add3A_113 : i32 to index
        %swap3A_118 = tpu.vector_load %arg7[%swap3A_117] {strides = array<i32>} : memref<4096xi32, #tpu.memory_space<vmem>>, vector<16xi32>,
        tpu.vector_store %arg7[%swap3A_117], %gather3A_116 {strides = array<i32>} : memref<4096xi32, #tpu.memory_space<vmem>>, vector<16xi32>,
        %mul3A_119 = arith.constant 128 : i32
        %mul3A_120 = arith.muli %scan3A_91, %mul3A_119 : i32
        %add3A_121 = arith.constant 48 : i32
        %add3A_122 = arith.addi %mul3A_120, %add3A_121 : i32
        %get3A_123 = arith.index_cast %add3A_122 : i32 to index
        %get3A_124 = tpu.vector_load %arg6[%get3A_123] {strides = array<i32>} : memref<4096xi32, #tpu.memory_space<vmem>>, vector<16xi32>,
        %gather3A_125 = tpu.vector_load_idx %arg5[%get3A_124] : memref<102400xi32, #tpu.memory_space<vmem>>[vector<16xi32>], vector<16xi32>,
        %swap3A_126 = arith.index_cast %add3A_122 : i32 to index
        %swap3A_127 = tpu.vector_load %arg7[%swap3A_126] {strides = array<i32>} : memref<4096xi32, #tpu.memory_space<vmem>>, vector<16xi32>,
        tpu.vector_store %arg7[%swap3A_126], %gather3A_125 {strides = array<i32>} : memref<4096xi32, #tpu.memory_space<vmem>>, vector<16xi32>,
        %scan3A_128 = arith.constant 3 : i32
        %scan3A_129 = arith.addi %scan3A_18, %scan3A_128 : i32
        %mul3A_130 = arith.constant 128 : i32
        %mul3A_131 = arith.muli %scan3A_129, %mul3A_130 : i32
        %add3A_132 = arith.constant 0 : i32
        %add3A_133 = arith.addi %mul3A_131, %add3A_132 : i32
        %get3A_134 = arith.index_cast %add3A_133 : i32 to index
        %get3A_135 = tpu.vector_load %arg6[%get3A_134] {strides = array<i32>} : memref<4096xi32, #tpu.memory_space<vmem>>, vector<16xi32>,
        %gather3A_136 = tpu.vector_load_idx %arg5[%get3A_135] : memref<102400xi32, #tpu.memory_space<vmem>>[vector<16xi32>], vector<16xi32>,
        %swap3A_137 = arith.index_cast %add3A_133 : i32 to index
        %swap3A_138 = tpu.vector_load %arg7[%swap3A_137] {strides = array<i32>} : memref<4096xi32, #tpu.memory_space<vmem>>, vector<16xi32>,
        tpu.vector_store %arg7[%swap3A_137], %gather3A_136 {strides = array<i32>} : memref<4096xi32, #tpu.memory_space<vmem>>, vector<16xi32>,
        %mul3A_139 = arith.constant 128 : i32
        %mul3A_140 = arith.muli %scan3A_129, %mul3A_139 : i32
        %add3A_141 = arith.constant 16 : i32
        %add3A_142 = arith.addi %mul3A_140, %add3A_141 : i32
        %get3A_143 = arith.index_cast %add3A_142 : i32 to index
        %get3A_144 = tpu.vector_load %arg6[%get3A_143] {strides = array<i32>} : memref<4096xi32, #tpu.memory_space<vmem>>, vector<16xi32>,
        %gather3A_145 = tpu.vector_load_idx %arg5[%get3A_144] : memref<102400xi32, #tpu.memory_space<vmem>>[vector<16xi32>], vector<16xi32>,
        %swap3A_146 = arith.index_cast %add3A_142 : i32 to index
        %swap3A_147 = tpu.vector_load %arg7[%swap3A_146] {strides = array<i32>} : memref<4096xi32, #tpu.memory_space<vmem>>, vector<16xi32>,
        tpu.vector_store %arg7[%swap3A_146], %gather3A_145 {strides = array<i32>} : memref<4096xi32, #tpu.memory_space<vmem>>, vector<16xi32>,
        %mul3A_148 = arith.constant 128 : i32
        %mul3A_149 = arith.muli %scan3A_129, %mul3A_148 : i32
        %add3A_150 = arith.constant 32 : i32
        %add3A_151 = arith.addi %mul3A_149, %add3A_150 : i32
        %get3A_152 = arith.index_cast %add3A_151 : i32 to index
        %get3A_153 = tpu.vector_load %arg6[%get3A_152] {strides = array<i32>} : memref<4096xi32, #tpu.memory_space<vmem>>, vector<16xi32>,
        %gather3A_154 = tpu.vector_load_idx %arg5[%get3A_153] : memref<102400xi32, #tpu.memory_space<vmem>>[vector<16xi32>], vector<16xi32>,
        %swap3A_155 = arith.index_cast %add3A_151 : i32 to index
        %swap3A_156 = tpu.vector_load %arg7[%swap3A_155] {strides = array<i32>} : memref<4096xi32, #tpu.memory_space<vmem>>, vector<16xi32>,
        tpu.vector_store %arg7[%swap3A_155], %gather3A_154 {strides = array<i32>} : memref<4096xi32, #tpu.memory_space<vmem>>, vector<16xi32>,
        %mul3A_157 = arith.constant 128 : i32
        %mul3A_158 = arith.muli %scan3A_129, %mul3A_157 : i32
        %add3A_159 = arith.constant 48 : i32
        %add3A_160 = arith.addi %mul3A_158, %add3A_159 : i32
        %get3A_161 = arith.index_cast %add3A_160 : i32 to index
        %get3A_162 = tpu.vector_load %arg6[%get3A_161] {strides = array<i32>} : memref<4096xi32, #tpu.memory_space<vmem>>, vector<16xi32>,
        %gather3A_163 = tpu.vector_load_idx %arg5[%get3A_162] : memref<102400xi32, #tpu.memory_space<vmem>>[vector<16xi32>], vector<16xi32>,
        %swap3A_164 = arith.index_cast %add3A_160 : i32 to index
        %swap3A_165 = tpu.vector_load %arg7[%swap3A_164] {strides = array<i32>} : memref<4096xi32, #tpu.memory_space<vmem>>, vector<16xi32>,
        tpu.vector_store %arg7[%swap3A_164], %gather3A_163 {strides = array<i32>} : memref<4096xi32, #tpu.memory_space<vmem>>, vector<16xi32>,
      }
      %scan3A_17 = arith.constant 32 : i32
      "tpu.region"() ({
        %run_scoped3A = tpu.sem_alloc : memref<!tpu.dma_semaphore, #tpu.memory_space<semaphore_mem>>
        %dma_start3A = tpu.memref_slice %arg4[%add3A_11] : memref<2097152xi32, #tpu.memory_space<hbm>> -> memref<4096xi32, #tpu.memory_space<hbm>>
        %dma_start3A_18 = tpu.memref_slice %arg4[%add3A_11] : memref<2097152xi32, #tpu.memory_space<hbm>> -> memref<4096xi32, #tpu.memory_space<hbm>>
        tpu.enqueue_dma source(%arg7 : memref<4096xi32, #tpu.memory_space<vmem>>) target(%dma_start3A_18 : memref<4096xi32, #tpu.memory_space<hbm>>) target_semaphore(%run_scoped3A : memref<!tpu.dma_semaphore, #tpu.memory_space<semaphore_mem>>)
        %dma_wait3A = tpu.memref_slice %arg4[%add3A_11] : memref<2097152xi32, #tpu.memory_space<hbm>> -> memref<4096xi32, #tpu.memory_space<hbm>>
        %dma_wait3A_19 = tpu.memref_slice %arg4[%add3A_11] : memref<2097152xi32, #tpu.memory_space<hbm>> -> memref<4096xi32, #tpu.memory_space<hbm>>
        tpu.wait_dma2 semaphore(%run_scoped3A : memref<!tpu.dma_semaphore, #tpu.memory_space<semaphore_mem>>) src(%arg7 : memref<4096xi32, #tpu.memory_space<vmem>>) dst(%dma_wait3A_19 : memref<4096xi32, #tpu.memory_space<hbm>>)
        tpu.yield
      }) : () -> ()
    }
    %scan3A_7 = arith.constant 16 : i32
    return
  }
}

module attributes {stable_mosaic.version = 14 : i64} {
  func.func @_pack_body(%arg0: i32, %arg1: memref<25600x17xf32, #tpu.memory_space<vmem>>, %arg2: memref<4096x50xi32, #tpu.memory_space<vmem>>, %arg3: memref<25600xi32, #tpu.memory_space<vmem>>, %arg4: memref<4096x128xi32, #tpu.memory_space<vmem>>) attributes {dimension_semantics = [#tpu.dimension_semantics<arbitrary>], iteration_bounds = array<i64: 4>, scalar_prefetch = 0 : i64, scratch_operands = 0 : i64, tpu.core_type = #tpu.core_type<tc>, window_params = [{transform_indices = @transform_0, window_bounds = array<i64: 25600, 17>}, {transform_indices = @transform_1, window_bounds = array<i64: 4096, 50>}, {transform_indices = @transform_2, window_bounds = array<i64: 25600>}, {transform_indices = @transform_3, window_bounds = array<i64: 4096, 128>}]} {
    %get3A = arith.constant 0 : index
    %get3A_0 = arith.constant 0 : index
    %get3A_1 = vector.load %arg1[%get3A, %get3A_0] : memref<25600x17xf32, #tpu.memory_space<vmem>>, vector<25600x17xf32>
    %convert_element_type3A = arith.truncf %get3A_1 : vector<25600x17xf32> to vector<25600x17xbf16>
    %iota3A = tpu.iota {dimensions = array<i32: 1>} : vector<1x17xi32>
    %shift_right_arithmetic3A = arith.constant 65536 : i32
    %shift_right_arithmetic3A_2 = vector.broadcast %shift_right_arithmetic3A : i32 to vector<1x17xi32>
    %shift_right_arithmetic3A_3 = arith.shrsi %shift_right_arithmetic3A_2, %iota3A : vector<1x17xi32>
    %convert_element_type3A_4 = arith.sitofp %shift_right_arithmetic3A_3 : vector<1x17xi32> to vector<1x17xbf16>
    %dot_general3A = arith.constant dense<0.000000e+00> : vector<1x25600xf32>
    %dot_general3A_5 = tpu.matmul %convert_element_type3A_4, %convert_element_type3A, %dot_general3A {dimension_numbers = #tpu.dot_dimension_numbers<[1], [1], [0], [0], [0, 0, 1, 0], [], []>, transpose_lhs_hint = false} : vector<1x17xbf16>, vector<25600x17xbf16>, vector<1x25600xf32> -> vector<1x25600xf32>
    %convert_element_type3A_6 = arith.fptosi %dot_general3A_5 : vector<1x25600xf32> to vector<1x25600xi32>
    %reshape3A = vector.shape_cast %convert_element_type3A_6 : vector<1x25600xi32> to vector<25600xi32>
    %swap3A = arith.constant 0 : index
    %swap3A_7 = vector.load %arg3[%swap3A] : memref<25600xi32, #tpu.memory_space<vmem>>, vector<25600xi32>
    tpu.vector_store %arg3[%swap3A], %reshape3A {strides = array<i32>} : memref<25600xi32, #tpu.memory_space<vmem>>, vector<25600xi32>,
    %get3A_8 = arith.constant 0 : index
    %get3A_9 = arith.constant 0 : index
    %get3A_10 = vector.load %arg2[%get3A_8, %get3A_9] : memref<4096x50xi32, #tpu.memory_space<vmem>>, vector<4096x50xi32>
    %broadcast_in_dim3A = arith.constant 0 : i32
    %broadcast_in_dim3A_11 = vector.broadcast %broadcast_in_dim3A : i32 to vector<4096x78xi32>
    %concatenate3A = tpu.concatenate %get3A_10, %broadcast_in_dim3A_11 in 1 : vector<4096x50xi32>, vector<4096x78xi32> -> vector<4096x128xi32>
    %swap3A_12 = arith.constant 0 : index
    %swap3A_13 = arith.constant 0 : index
    %swap3A_14 = vector.load %arg4[%swap3A_12, %swap3A_13] : memref<4096x128xi32, #tpu.memory_space<vmem>>, vector<4096x128xi32>
    tpu.vector_store %arg4[%swap3A_12, %swap3A_13], %concatenate3A {strides = array<i32>} : memref<4096x128xi32, #tpu.memory_space<vmem>>, vector<4096x128xi32>,
    return
  }
  func.func @transform_0(%arg0: i32) -> (i32, i32) {
    %c0_i32 = arith.constant 0 : i32
    %c0_i32_0 = arith.constant 0 : i32
    return %arg0, %c0_i32 : i32, i32
  }
  func.func @transform_1(%arg0: i32) -> (i32, i32) {
    %c0_i32 = arith.constant 0 : i32
    %c0_i32_0 = arith.constant 0 : i32
    return %arg0, %c0_i32 : i32, i32
  }
  func.func @transform_2(%arg0: i32) -> i32 {
    %c0_i32 = arith.constant 0 : i32
    return %arg0 : i32
  }
  func.func @transform_3(%arg0: i32) -> (i32, i32) {
    %c0_i32 = arith.constant 0 : i32
    %c0_i32_0 = arith.constant 0 : i32
    return %arg0, %c0_i32 : i32, i32
  }
}

module attributes {stable_mosaic.version = 14 : i64} {
  func.func @_unpack_body(%arg0: i32, %arg1: memref<2048x128xi32, #tpu.memory_space<vmem>>, %arg2: memref<2048x850xi32, #tpu.memory_space<vmem>>) attributes {dimension_semantics = [#tpu.dimension_semantics<arbitrary>], iteration_bounds = array<i64: 8>, scalar_prefetch = 0 : i64, scratch_operands = 0 : i64, tpu.core_type = #tpu.core_type<tc>, window_params = [{transform_indices = @transform_0, window_bounds = array<i64: 2048, 128>}, {transform_indices = @transform_1, window_bounds = array<i64: 2048, 850>}]} {
    %get3A = arith.constant 0 : index
    %get3A_0 = arith.constant 0 : index
    %get3A_1 = vector.load %arg1[%get3A, %get3A_0] : memref<2048x128xi32, #tpu.memory_space<vmem>>, vector<2048x128xi32>
    %and3A = arith.constant 63 : i32
    %and3A_2 = vector.broadcast %and3A : i32 to vector<2048x128xi32>
    %and3A_3 = arith.andi %get3A_1, %and3A_2 : vector<2048x128xi32>
    %convert_element_type3A = arith.sitofp %and3A_3 : vector<2048x128xi32> to vector<2048x128xbf16>
    %shift_right_arithmetic3A = arith.constant 6 : i32
    %shift_right_arithmetic3A_4 = vector.broadcast %shift_right_arithmetic3A : i32 to vector<2048x128xi32>
    %shift_right_arithmetic3A_5 = arith.shrsi %get3A_1, %shift_right_arithmetic3A_4 : vector<2048x128xi32>
    %and3A_6 = arith.constant 63 : i32
    %and3A_7 = vector.broadcast %and3A_6 : i32 to vector<2048x128xi32>
    %and3A_8 = arith.andi %shift_right_arithmetic3A_5, %and3A_7 : vector<2048x128xi32>
    %convert_element_type3A_9 = arith.sitofp %and3A_8 : vector<2048x128xi32> to vector<2048x128xbf16>
    %shift_right_arithmetic3A_10 = arith.constant 12 : i32
    %shift_right_arithmetic3A_11 = vector.broadcast %shift_right_arithmetic3A_10 : i32 to vector<2048x128xi32>
    %shift_right_arithmetic3A_12 = arith.shrsi %get3A_1, %shift_right_arithmetic3A_11 : vector<2048x128xi32>
    %and3A_13 = arith.constant 31 : i32
    %and3A_14 = vector.broadcast %and3A_13 : i32 to vector<2048x128xi32>
    %and3A_15 = arith.andi %shift_right_arithmetic3A_12, %and3A_14 : vector<2048x128xi32>
    %convert_element_type3A_16 = arith.sitofp %and3A_15 : vector<2048x128xi32> to vector<2048x128xbf16>
    %concatenate3A = tpu.concatenate %convert_element_type3A, %convert_element_type3A_9, %convert_element_type3A_16 in 1 : vector<2048x128xbf16>, vector<2048x128xbf16>, vector<2048x128xbf16> -> vector<2048x384xbf16>
    %iota3A = tpu.iota {dimensions = array<i32: 0>} : vector<384x850xi32>
    %iota3A_17 = tpu.iota {dimensions = array<i32: 1>} : vector<384x850xi32>
    %jit3A = arith.constant 128 : i32
    %eq3A = arith.constant 0 : i32
    %eq3A_18 = arith.cmpi eq, %jit3A, %eq3A : i32
    %jit3A_19 = arith.constant 1 : i32
    %select_n3A = arith.select %eq3A_18, %jit3A_19, %jit3A : i32
    %rem3A = vector.broadcast %select_n3A : i32 to vector<384x850xi32>
    %rem3A_20 = arith.remsi %iota3A, %rem3A : vector<384x850xi32>
    %ne3A = arith.constant 0 : i32
    %ne3A_21 = vector.broadcast %ne3A : i32 to vector<384x850xi32>
    %ne3A_22 = arith.cmpi ne, %rem3A_20, %ne3A_21 : vector<384x850xi32>
    %lt3A = arith.constant 0 : i32
    %lt3A_23 = vector.broadcast %lt3A : i32 to vector<384x850xi32>
    %lt3A_24 = arith.cmpi slt, %rem3A_20, %lt3A_23 : vector<384x850xi32>
    %lt3A_25 = arith.constant 0 : i32
    %lt3A_26 = arith.cmpi slt, %select_n3A, %lt3A_25 : i32
    %ne3A_27 = vector.broadcast %lt3A_26 : i1 to vector<384x850xi1>
    %ne3A_28 = vector.broadcast %ne3A_27 : vector<384x850xi1> to vector<384x850xi1>
    %ne3A_29 = arith.xori %lt3A_24, %ne3A_28 : vector<384x850xi1>
    %and3A_30 = arith.andi %ne3A_29, %ne3A_22 : vector<384x850xi1>
    %add3A = vector.broadcast %select_n3A : i32 to vector<384x850xi32>
    %add3A_31 = arith.addi %rem3A_20, %add3A : vector<384x850xi32>
    %select_n3A_32 = arith.select %and3A_30, %add3A_31, %rem3A_20 : vector<384x850xi1>, vector<384x850xi32>
    %jit3A_33 = arith.constant 17 : i32
    %div3A = vector.broadcast %jit3A_33 : i32 to vector<384x850xi32>
    %div3A_34 = arith.divsi %iota3A_17, %div3A : vector<384x850xi32>
    %sign3A = arith.constant 0 : i32
    %sign3A_35 = vector.broadcast %sign3A : i32 to vector<384x850xi32>
    %sign3A_36 = arith.cmpi sgt, %iota3A_17, %sign3A_35 : vector<384x850xi32>
    %sign3A_37 = arith.extui %sign3A_36 : vector<384x850xi1> to vector<384x850xi32>
    %sign3A_38 = arith.constant 0 : i32
    %sign3A_39 = vector.broadcast %sign3A_38 : i32 to vector<384x850xi32>
    %sign3A_40 = arith.cmpi slt, %iota3A_17, %sign3A_39 : vector<384x850xi32>
    %sign3A_41 = arith.extui %sign3A_40 : vector<384x850xi1> to vector<384x850xi32>
    %sign3A_42 = arith.subi %sign3A_37, %sign3A_41 : vector<384x850xi32>
    %sign3A_43 = arith.constant 0 : i32
    %sign3A_44 = arith.cmpi sgt, %jit3A_33, %sign3A_43 : i32
    %sign3A_45 = arith.extui %sign3A_44 : i1 to i32
    %sign3A_46 = arith.constant 0 : i32
    %sign3A_47 = arith.cmpi slt, %jit3A_33, %sign3A_46 : i32
    %sign3A_48 = arith.extui %sign3A_47 : i1 to i32
    %sign3A_49 = arith.subi %sign3A_45, %sign3A_48 : i32
    %ne3A_50 = vector.broadcast %sign3A_49 : i32 to vector<384x850xi32>
    %ne3A_51 = arith.cmpi ne, %sign3A_42, %ne3A_50 : vector<384x850xi32>
    %rem3A_52 = vector.broadcast %jit3A_33 : i32 to vector<384x850xi32>
    %rem3A_53 = arith.remsi %iota3A_17, %rem3A_52 : vector<384x850xi32>
    %ne3A_54 = arith.constant 0 : i32
    %ne3A_55 = vector.broadcast %ne3A_54 : i32 to vector<384x850xi32>
    %ne3A_56 = arith.cmpi ne, %rem3A_53, %ne3A_55 : vector<384x850xi32>
    %and3A_57 = arith.andi %ne3A_51, %ne3A_56 : vector<384x850xi1>
    %sub3A = arith.constant 1 : i32
    %sub3A_58 = vector.broadcast %sub3A : i32 to vector<384x850xi32>
    %sub3A_59 = arith.subi %div3A_34, %sub3A_58 : vector<384x850xi32>
    %select_n3A_60 = arith.select %and3A_57, %sub3A_59, %div3A_34 : vector<384x850xi1>, vector<384x850xi32>
    %eq3A_61 = arith.cmpi eq, %select_n3A_60, %select_n3A_32 : vector<384x850xi32>
    %lt3A_62 = arith.constant 50 : i32
    %lt3A_63 = vector.broadcast %lt3A_62 : i32 to vector<384x850xi32>
    %lt3A_64 = arith.cmpi slt, %select_n3A_32, %lt3A_63 : vector<384x850xi32>
    %and3A_65 = arith.andi %eq3A_61, %lt3A_64 : vector<384x850xi1>
    %jit3A_66 = arith.constant 128 : i32
    %div3A_67 = vector.broadcast %jit3A_66 : i32 to vector<384x850xi32>
    %div3A_68 = arith.divsi %iota3A, %div3A_67 : vector<384x850xi32>
    %sign3A_69 = arith.constant 0 : i32
    %sign3A_70 = vector.broadcast %sign3A_69 : i32 to vector<384x850xi32>
    %sign3A_71 = arith.cmpi sgt, %iota3A, %sign3A_70 : vector<384x850xi32>
    %sign3A_72 = arith.extui %sign3A_71 : vector<384x850xi1> to vector<384x850xi32>
    %sign3A_73 = arith.constant 0 : i32
    %sign3A_74 = vector.broadcast %sign3A_73 : i32 to vector<384x850xi32>
    %sign3A_75 = arith.cmpi slt, %iota3A, %sign3A_74 : vector<384x850xi32>
    %sign3A_76 = arith.extui %sign3A_75 : vector<384x850xi1> to vector<384x850xi32>
    %sign3A_77 = arith.subi %sign3A_72, %sign3A_76 : vector<384x850xi32>
    %sign3A_78 = arith.constant 0 : i32
    %sign3A_79 = arith.cmpi sgt, %jit3A_66, %sign3A_78 : i32
    %sign3A_80 = arith.extui %sign3A_79 : i1 to i32
    %sign3A_81 = arith.constant 0 : i32
    %sign3A_82 = arith.cmpi slt, %jit3A_66, %sign3A_81 : i32
    %sign3A_83 = arith.extui %sign3A_82 : i1 to i32
    %sign3A_84 = arith.subi %sign3A_80, %sign3A_83 : i32
    %ne3A_85 = vector.broadcast %sign3A_84 : i32 to vector<384x850xi32>
    %ne3A_86 = arith.cmpi ne, %sign3A_77, %ne3A_85 : vector<384x850xi32>
    %rem3A_87 = vector.broadcast %jit3A_66 : i32 to vector<384x850xi32>
    %rem3A_88 = arith.remsi %iota3A, %rem3A_87 : vector<384x850xi32>
    %ne3A_89 = arith.constant 0 : i32
    %ne3A_90 = vector.broadcast %ne3A_89 : i32 to vector<384x850xi32>
    %ne3A_91 = arith.cmpi ne, %rem3A_88, %ne3A_90 : vector<384x850xi32>
    %and3A_92 = arith.andi %ne3A_86, %ne3A_91 : vector<384x850xi1>
    %sub3A_93 = arith.constant 1 : i32
    %sub3A_94 = vector.broadcast %sub3A_93 : i32 to vector<384x850xi32>
    %sub3A_95 = arith.subi %div3A_68, %sub3A_94 : vector<384x850xi32>
    %select_n3A_96 = arith.select %and3A_92, %sub3A_95, %div3A_68 : vector<384x850xi1>, vector<384x850xi32>
    %mul3A = arith.constant 6 : i32
    %mul3A_97 = vector.broadcast %mul3A : i32 to vector<384x850xi32>
    %mul3A_98 = arith.muli %mul3A_97, %select_n3A_96 : vector<384x850xi32>
    %jit3A_99 = arith.constant 17 : i32
    %eq3A_100 = arith.constant 0 : i32
    %eq3A_101 = arith.cmpi eq, %jit3A_99, %eq3A_100 : i32
    %jit3A_102 = arith.constant 1 : i32
    %select_n3A_103 = arith.select %eq3A_101, %jit3A_102, %jit3A_99 : i32
    %rem3A_104 = vector.broadcast %select_n3A_103 : i32 to vector<384x850xi32>
    %rem3A_105 = arith.remsi %iota3A_17, %rem3A_104 : vector<384x850xi32>
    %ne3A_106 = arith.constant 0 : i32
    %ne3A_107 = vector.broadcast %ne3A_106 : i32 to vector<384x850xi32>
    %ne3A_108 = arith.cmpi ne, %rem3A_105, %ne3A_107 : vector<384x850xi32>
    %lt3A_109 = arith.constant 0 : i32
    %lt3A_110 = vector.broadcast %lt3A_109 : i32 to vector<384x850xi32>
    %lt3A_111 = arith.cmpi slt, %rem3A_105, %lt3A_110 : vector<384x850xi32>
    %lt3A_112 = arith.constant 0 : i32
    %lt3A_113 = arith.cmpi slt, %select_n3A_103, %lt3A_112 : i32
    %ne3A_114 = vector.broadcast %lt3A_113 : i1 to vector<384x850xi1>
    %ne3A_115 = vector.broadcast %ne3A_114 : vector<384x850xi1> to vector<384x850xi1>
    %ne3A_116 = arith.xori %lt3A_111, %ne3A_115 : vector<384x850xi1>
    %and3A_117 = arith.andi %ne3A_116, %ne3A_108 : vector<384x850xi1>
    %add3A_118 = vector.broadcast %select_n3A_103 : i32 to vector<384x850xi32>
    %add3A_119 = arith.addi %rem3A_105, %add3A_118 : vector<384x850xi32>
    %select_n3A_120 = arith.select %and3A_117, %add3A_119, %rem3A_105 : vector<384x850xi1>, vector<384x850xi32>
    %sub3A_121 = arith.constant 16 : i32
    %sub3A_122 = vector.broadcast %sub3A_121 : i32 to vector<384x850xi32>
    %sub3A_123 = arith.subi %sub3A_122, %select_n3A_120 : vector<384x850xi32>
    %sub3A_124 = arith.subi %mul3A_98, %sub3A_123 : vector<384x850xi32>
    %add3A_125 = arith.constant 127 : i32
    %add3A_126 = vector.broadcast %add3A_125 : i32 to vector<384x850xi32>
    %add3A_127 = arith.addi %sub3A_124, %add3A_126 : vector<384x850xi32>
    %shift_left3A = arith.constant 23 : i32
    %shift_left3A_128 = vector.broadcast %shift_left3A : i32 to vector<384x850xi32>
    %shift_left3A_129 = arith.shli %add3A_127, %shift_left3A_128 : vector<384x850xi32>
    %bitcast_convert_type3A = tpu.bitcast %shift_left3A_129 : vector<384x850xi32> -> vector<384x850xf32>
    %jit3A_130 = arith.constant 0.000000e+00 : f32
    %broadcast_in_dim3A = vector.broadcast %jit3A_130 : f32 to vector<384x850xf32>
    %select_n3A_131 = arith.select %and3A_65, %bitcast_convert_type3A, %broadcast_in_dim3A : vector<384x850xi1>, vector<384x850xf32>
    %convert_element_type3A_132 = arith.truncf %select_n3A_131 : vector<384x850xf32> to vector<384x850xbf16>
    %dot_general3A = arith.constant dense<0.000000e+00> : vector<2048x850xf32>
    %dot_general3A_133 = tpu.matmul %concatenate3A, %convert_element_type3A_132, %dot_general3A {dimension_numbers = #tpu.dot_dimension_numbers<[1], [0], [0], [1], [0, 0, 1, 1], [], []>, transpose_lhs_hint = false} : vector<2048x384xbf16>, vector<384x850xbf16>, vector<2048x850xf32> -> vector<2048x850xf32>
    %convert_element_type3A_134 = arith.fptosi %dot_general3A_133 : vector<2048x850xf32> to vector<2048x850xi32>
    %and3A_135 = arith.constant 1 : i32
    %and3A_136 = vector.broadcast %and3A_135 : i32 to vector<2048x850xi32>
    %and3A_137 = arith.andi %convert_element_type3A_134, %and3A_136 : vector<2048x850xi32>
    %add3A_138 = arith.constant 1 : i32
    %add3A_139 = vector.broadcast %add3A_138 : i32 to vector<2048x850xi32>
    %add3A_140 = arith.addi %and3A_137, %add3A_139 : vector<2048x850xi32>
    %swap3A = arith.constant 0 : index
    %swap3A_141 = arith.constant 0 : index
    %swap3A_142 = vector.load %arg2[%swap3A, %swap3A_141] : memref<2048x850xi32, #tpu.memory_space<vmem>>, vector<2048x850xi32>
    tpu.vector_store %arg2[%swap3A, %swap3A_141], %add3A_140 {strides = array<i32>} : memref<2048x850xi32, #tpu.memory_space<vmem>>, vector<2048x850xi32>,
    return
  }
  func.func @transform_0(%arg0: i32) -> (i32, i32) {
    %c0_i32 = arith.constant 0 : i32
    %c0_i32_0 = arith.constant 0 : i32
    return %arg0, %c0_i32 : i32, i32
  }
  func.func @transform_1(%arg0: i32) -> (i32, i32) {
    %c0_i32 = arith.constant 0 : i32
    %c0_i32_0 = arith.constant 0 : i32
    return %arg0, %c0_i32 : i32, i32
  }
}

</mosaic_0001>

<sc_bundles>
// kernel: kernel.5.cloned.1.call-start
scs
__scs_entry_jumppad:
0x0: {  	(pc) =	sbr.rel $0x88, $3  }
0x1: {  	(tag) =	ssettag $0x0;
	lr =	simm.s32 $0x1  }
0x2: {  	[smem:$0x3F9F] =	sst lr;
	_ =	strace $0xD0000000  }
0x3: {  	_ = 	snop  }
0x4: {  	_ = 	snop  }
0x5: {  	_ = 	snop  }
0x6: {  	_ = 	snop  }
0x7: {  	_ = 	snop  }
__scs_overlays_trampoline_lowered:
0x8: {  	[smem:$0x3FAE] =	sst s0  }
0x9: {  	[smem:$0x3FAF] =	sst s1  }
0xa: {  	[smem:$0x3FB0] =	sst s2  }
0xb: {  	[smem:$0x3FB1] =	sst s3  }
0xc: {  	[smem:$0x3FB2] =	sst s4  }
0xd: {  	[smem:$0x3FB3] =	sst s5  }
0xe: {  	[smem:$0x3FB4] =	sst s6  }
0xf: {  	[smem:$0x3FB5] =	sst s7  }
0x10: {  	[smem:$0x3FB6] =	sst s8  }
0x11: {  	[smem:$0x3FB7] =	sst s9;
	s0 =	simm.s32 @!p0 $0x0  }
0x12: {  	s1 =	sld [smem:$0x3F9D];
	s0 =	simm.s32 @p0 $0x1  }
0x13: {  	[smem:$0x3FB8] =	sst s0;
	s0 =	simm.s32 @!p1 $0x0  }
0x14: {  	s2 =	sld [smem:$0x3F9C];
	s0 =	simm.s32 @p1 $0x1  }
0x15: {  	[smem:$0x3FB9] =	sst s0;
	s0 =	simm.s32 @!p2 $0x0  }
0x16: {  	s3 =	sld [smem:$0x3FDB];
	s0 =	simm.s32 @p2 $0x1  }
0x17: {  	s4 =	simm.s32 $0x1BF5;
	[smem:$0x3FBB] =	sst s0  }
0x18: {  	s0 =	sld [smem:$0x3F9E];
	_ =	swait.ge [sflag:s4], $0x0  }
0x19: {  	s7 =	sld [smem:$0x3F9F]  }
0x1a: {  	s8 =	sadd.s32 $0xFFFFE003, lr  }
0x1b: {  	s9 =	sadd.s32 $0xFFFFFEF7, lr;
	s5 =	simm.s32 $0xFFFFFFFF;
	p2 =	slt.u32 s8, $0xFFFFF086  }
0x1c: {  	p1 =	slt.u32 s9, $0xF7A;
	s5 =	simm.s32 @!p2 $0x0  }
0x1d: {  	s5 =	simm.s32 @p1 $0x1;
	p0 =	seq.s32 s7, s2  }
0x1e: {  	s7 =	smul.u32 @!p0 $0xF7A, s2;
	p2 =	seq.s32 @!p0 s5, $0x0  }
0x1f: {  	s9 =	smul.u32 $0xF7A, s1;
	s8 =	simm.s32 @!p0 $0x1BF5;
	p2 =	por !p2, p0  }
0x20: {  	[sflag:s8] =	ssyncset.s32 @!p0 $0xFFFFF086;
	s6 =	sadd.s32 @!p0 s3, s7;
	s7 =	simm.s32 @!p0 $0x108  }
0x21: {  	s3 =	sadd.s32 s3, s9;
	s6 =	sadd.s32 @!p0 $0x88, s6;
	s7 =	simm.s32 @p2 $0x1082  }
0x22: {  	[simem:s7], [sflag:s8] =	dma.local @!p0 [hbm:s6], $0xF7A  }
0x23: {  	s9 =	sor.u32 $0xD0000000, s2;
	s6 =	simm.s32 $0x108;
	_ =	swait.ge @!p0 [sflag:s8], $0x0  }
0x24: {  	s3 =	sadd.s32 $0x88, s3;
	s6 =	simm.s32 @!p1 $0x1082;
	[sflag:s4] =	ssyncset.s32 $0xFFFFF086  }
0x25: {  	[simem:s6], [sflag:s4] =	dma.local [hbm:s3], $0xF7A  }
0x26: {  	[smem:$0x3F9F] =	sst s1;
	(tag) =	ssettag s2;
	_ =	strace s9  }
0x27: {  	s1 =	sld [smem:$0x3FAF]  }
0x28: {  	s2 =	sld [smem:$0x3FB0]  }
0x29: {  	s4 =	sld [smem:$0x3FB2]  }
0x2a: {  	p0 =	seq.s32 s5, $0x0;
	s5 =	sld [smem:$0x3FB3]  }
0x2b: {  	s6 =	sld [smem:$0x3FB4]  }
0x2c: {  	s7 =	sld [smem:$0x3FB5]  }
0x2d: {  	s3 =	simm.s32 $0x108;
	s8 =	sld [smem:$0x3FB6]  }
0x2e: {  	s3 =	simm.s32 @!p0 $0x1082;
	s9 =	sld [smem:$0x3FB7]  }
0x2f: {  	lr =	sadd.s32 s0, s3;
	s0 =	sld [smem:$0x3FAE]  }
0x30: {  	s3 =	sld [smem:$0x3FB1]  }
0x31: {  	[smem:$0x3FBA] =	sst s10  }
0x32: {  	s10 =	sld [smem:$0x3FB8];
	_ =	sdelay $0x3  }
0x33: {  	p0 =	seq.s32 s10, $0x1;
	s10 =	sld [smem:$0x3FBA];
	_ =	sdelay $0x3  }
0x34: {  	[smem:$0x3FBA] =	sst s10  }
0x35: {  	s10 =	sld [smem:$0x3FB9];
	_ =	sdelay $0x3  }
0x36: {  	p1 =	seq.s32 s10, $0x1;
	s10 =	sld [smem:$0x3FBA];
	_ =	sdelay $0x3  }
0x37: {  	[smem:$0x3FBA] =	sst s10  }
0x38: {  	s10 =	sld [smem:$0x3FBB]  }
0x39: {  	_ = 	snop;
	(pc) =	sbr.ind lr, $3  }
0x3a: {  	_ = 	snop  }
0x3b: {  	_ = 	snop  }
0x3c: {  	p2 =	seq.s32 s10, $0x1;
	s10 =	sld [smem:$0x3FBA]  }
0x3d: {  	_ =	shalt  }
0x3e: {  	_ =	shalt  }
0x3f: {  	_ =	shalt  }
0x40: {  	_ =	shalt  }
0x41: {  	_ =	shalt  }
0x42: {  	_ =	shalt  }
0x43: {  	_ =	shalt  }
0x44: {  	_ =	shalt  }
0x45: {  	_ =	shalt  }
0x46: {  	_ =	shalt  }
0x47: {  	_ =	shalt  }
0x48: {  	_ =	shalt  }
0x49: {  	_ =	shalt  }
0x4a: {  	_ =	shalt  }
0x4b: {  	_ =	shalt  }
0x4c: {  	_ =	shalt  }
0x4d: {  	_ =	shalt  }
0x4e: {  	_ =	shalt  }
0x4f: {  	_ =	shalt  }
0x50: {  	_ =	shalt  }
0x51: {  	_ =	shalt  }
0x52: {  	_ =	shalt  }
0x53: {  	_ =	shalt  }
0x54: {  	_ =	shalt  }
0x55: {  	_ =	shalt  }
0x56: {  	_ =	shalt  }
0x57: {  	_ =	shalt  }
0x58: {  	_ =	shalt  }
0x59: {  	_ =	shalt  }
0x5a: {  	_ =	shalt  }
0x5b: {  	_ =	shalt  }
0x5c: {  	_ =	shalt  }
0x5d: {  	_ =	shalt  }
0x5e: {  	_ =	shalt  }
0x5f: {  	_ =	shalt  }
0x60: {  	_ =	shalt  }
0x61: {  	_ =	shalt  }
0x62: {  	_ =	shalt  }
0x63: {  	_ =	shalt  }
0x64: {  	_ =	shalt  }
0x65: {  	_ =	shalt  }
0x66: {  	_ =	shalt  }
0x67: {  	_ =	shalt  }
0x68: {  	_ =	shalt  }
0x69: {  	_ =	shalt  }
0x6a: {  	_ =	shalt  }
0x6b: {  	_ =	shalt  }
0x6c: {  	_ =	shalt  }
0x6d: {  	_ =	shalt  }
0x6e: {  	_ =	shalt  }
0x6f: {  	_ =	shalt  }
0x70: {  	_ =	shalt  }
0x71: {  	_ =	shalt  }
0x72: {  	_ =	shalt  }
0x73: {  	_ =	shalt  }
0x74: {  	_ =	shalt  }
0x75: {  	_ =	shalt  }
0x76: {  	_ =	shalt  }
0x77: {  	_ =	shalt  }
0x78: {  	_ =	shalt  }
0x79: {  	_ =	shalt  }
0x7a: {  	_ =	shalt  }
0x7b: {  	_ =	shalt  }
0x7c: {  	_ =	shalt  }
0x7d: {  	_ =	shalt  }
0x7e: {  	_ =	shalt  }
0x7f: {  	_ =	shalt  }
0x80: {  	_ =	shalt  }
0x81: {  	_ =	shalt  }
0x82: {  	_ =	shalt  }
0x83: {  	_ =	shalt  }
0x84: {  	_ =	shalt  }
0x85: {  	_ =	shalt  }
0x86: {  	_ =	shalt  }
0x87: {  	_ =	shalt  }
.Lfunc_end0:
.L_simem_size_0:
called_computation_lowered:
.L_overlay_start_0:
0x88: {  	s2 =	sld [smem:$0x3FD9]  }
0x89: {  	s3 =	sld [smem:$0x3FFE];
	_ =	sdelay $0x1  }
0x8a: {  	s1 =	srdreg.scid  }
0x8b: {  	s0 =	sand.u32 $0x1, s1  }
0x8c: {  	s15 =	sshll.u32 s0, $0xA;
	s2 =	sadd.s32 s3, s2  }
0x8d: {  	s2 =	sadd.s32 s2, s15  }
0x8e: {  	[smem:$0x3FC6] =	sst s2  }
0x8f: {  	_ = 	snop  }
0x90: {  	s2 =	sld [smem:$0x3FD0];
	_ =	sdelay $0x2  }
0x91: {  	s16 =	simm.s32 $0xA;
	s4 =	simm.s32 $0x10  }
0x92: {  	[smem:s4], [sflag:s16] =	dma.local [hbm:s2], $0x1  }
0x93: {  	_ =	swait.eq [sflag:s16], $0x1  }
0x94: {  	s17 =	sld [smem:$0x10];
	[sflag:s16] =	ssyncset.done $0x0  }
0x95: {  	s18 =	sld [smem:$0x11];
	[sflag:s16] =	ssyncadd.s32 $0xFFFFFFFF  }
0x96: {  	s19 =	sld [smem:$0x12];
	(tm) =	ssettm $0x1  }
0x97: {  	s5 =	sld [smem:$0x3FFB];
	_ =	sdelay $0x3  }
0x98: {  	_ =	strace s5  }
0x99: {  	s5 =	sld [smem:$0x3FFC];
	_ =	sdelay $0x3  }
0x9a: {  	_ =	strace s5  }
0x9b: {  	s5 =	sld [smem:$0x3FFD];
	_ =	sdelay $0x3  }
0x9c: {  	_ =	strace s5  }
0x9d: {  	_ =	strace $0x8FFFFFFF  }
0x9e: {  	s20 =	sld [smem:$0x3FDB];
	_ =	sdelay $0x1  }
0x9f: {  	s6 =	simm.s32 $_scs_section_size  }
0xa0: {  	s7 =	simm.s32 $_size__tile_overlayer_lowered;
	s8 =	simm.s32 $_tile_overlayer_lowered  }
0xa1: {  	s23 =	simm.s32 $0x1BFF;
	s22 =	sshll.u32 s8, $0x1;
	s5 =	sadd.s32 s6, s20  }
0xa2: {  	s9 =	simm.s32 $0x0;
	s21 =	sshll.u32 s7, $0x1;
	s7 =	sadd.s32 s22, s5  }
0xa3: {  	[timem:s9], [sflag:s23] =	dma.local [hbm:s7], s21  }
0xa4: {  	_ =	swait.ge [sflag:s23], s21  }
0xa5: {  	s6 =	ssub.s32 $0x0, s21;
	[sflag:s23] =	ssyncset.done $0x0  }
0xa6: {  	[sflag:s23] =	ssyncadd.s32 s6;
	_ =	sdelay $0x1  }
0xa7: {  	s24 =	simm.s32 $0x1B8B  }
0xa8: {  	_ =	swait.ge [sflag:s24], $0x1  }
0xa9: {  	[sflag:s24] =	ssyncset.done $0x0  }
0xaa: {  	s25 =	simm.s32 $0x1B8E;
	[sflag:s24] =	ssyncadd.s32 $0xFFFFFFFF  }
0xab: {  	s26 =	simm.s32 $execute0_lowered;
	[smem:$0x3FD2] =	sst s25  }
0xac: {  	s6 =	sshll.u32 s26, $0x1;
	_ =	strace $0x80000046;
	[dreg:$0x1] =	wrdreg $0xFFFFFFFF  }
0xad: {  	s28 =	simm.s32 $_size_execute0_lowered;
	s5 =	sadd.s32 s5, s6;
	[dreg:$0x0] =	wrdreg $0x0  }
0xae: {  	s6 =	sshll.u32 s28, $0x1;
	[dreg:$0x2] =	wrdreg s5  }
0xaf: {  	[dreg:$0x3] =	wrdreg s6  }
0xb0: {  	[dreg:$0x4] =	wrdreg $0xC0  }
0xb1: {  	_ =	task [dreg:s9], $0x5FFFF  }
0xb2: {  	[dreg:$0x1] =	wrdreg $0xFFFFFFFF  }
0xb3: {  	[dreg:$0x0] =	wrdreg $0x60  }
0xb4: {  	[dreg:$0x2] =	wrdreg s17  }
0xb5: {  	[dreg:$0x3] =	wrdreg s19  }
0xb6: {  	[dreg:$0x4] =	wrdreg s18  }
0xb7: {  	[dreg:$0x5] =	wrdreg $0x9  }
0xb8: {  	_ =	task.clear_ibuf [dreg:s9], $0x6FFFF;
	_ =	strace $0x90000046  }
0xb9: {  	s29 =	simm.s32 $0x9;
	_ =	strace $0x80000048  }
0xba: {  	_ =	swait.ge [sflag:s29], $0x1  }
0xbb: {  	[sflag:s29] =	ssyncadd.s32 $0xFFFFFFFF  }
0xbc: {  	_ =	strace $0x90000048  }
0xbd: {  	_ =	sfence  }
0xbe: {  	s30 =	sld [smem:$0x0];
	_ =	sdelay $0x2  }
0xbf: {  	s31 =	sshll.u32 s1, $0xD;
	s1 =	sshrl.u32 s1, $0x2  }
0xc0: {  	s3 =	sand.u32 $0x4000, s31;
	s1 =	sadd.s32 s1, s30  }
0xc1: {  	s0 =	sor.u32 s3, s0;
	s1 =	sshll.u32 s1, $0x11  }
0xc2: {  	s0 =	sor.u32 s1, s0  }
0xc3: {  	s0 =	sadd.s32 $0x8F2B, s0  }
0xc4: {  	[sflag:s0] =	ssyncadd.remote.s32 $0x1  }
0xc5: {  	_ =	sfence.sel $0xFFFF  }
0xc6: {  	[dreg:$0x0] =	wrdreg $0xFFFFFFFF;
	(pc) =	sbr.abs _section_cstart, $3  }
0xc7: {  	[dreg:$0x1] =	wrdreg $0xFFFFFFFF  }
0xc8: {  	_ =	task.clear_ibuf [dreg:s9], $0x2FFFF;
	_ =	strace $0x9FFFFFFF  }
0xc9: {  	(tm) =	ssettm $0x7FFFFFFF  }
tec
execute0_lowered:
.L_overlay_start_1:
0x0: {  	(tag) =	ssettag $0x1  }
0x1: {  	s1 =	rddreg [dreg:$0x0]  }
0x2: {  	s2 =	rddreg [dreg:$0x1]  }
0x3: {  	s3 =	rddreg [dreg:$0x2]  }
0x4: {  	s5 =	srdreg.scid;
	s0 =	rddreg [dreg:$0x3];
	s4 =	simm.s32 $0x0  }
0x5: {  	s9 =	simm.s32 $0x19000;
	s10 =	simm.s32 $0x1A000;
	s6 =	sand.u32 $0x1, s5  }
0x6: {  	s11 =	simm.s32 $0x0;
	[smem:$0x7FF] =	sst s4;
	s7 =	ssub.s32 $0x2, s6  }
0x7: {  	s5 =	stileid.u32;
	_ =	strace $0x80000047;
	s8 =	sshrl.u32 s7, $0x1  }
0x8: {  	s31 =	sshll.u32 s5, $0xE;
	s6 =	sshll.u32 s6, $0xD;
	s7 =	ssub.s32 s7, s8  }
0x9: {  	s6 =	sor.u32 s6, s31;
	s8 =	simm.s32 $0x1;
	s7 =	smax.u32 s7, $0x1  }
.LBB2_1:
0xa: {  	[tilespmem:s4], [sflag:$0x1] =	stream.linear.gather [hbm4b:s1+s4], $0x19000, $0x38;
	[tilespmem:$0x1B000] =	vst v63  }
0xb: {  	_ =	swait.ge [sflag:s8], $0x19000  }
0xc: {  	[sflag:s8] =	ssyncset.done $0x0  }
0xd: {  	s12 =	simm.s32 $0x0;
	[sflag:s8] =	ssyncadd.s32 $0xFFFE7000  }
.LBB2_2:
0xe: {  	s13 =	sshll.u32 s12, $0x9  }
0xf: {  	s13 =	sadd.s32 s6, s13  }
0x10: {  	s14 =	sadd.s32 s2, s13  }
0x11: {  	[tilespmem:s9], [sflag:$0x1] =	stream.linear.gather [hbm4b:s14+s4], $0x1000, $0x38;
	[tilespmem:$0x1B000] =	vst v63  }
0x12: {  	_ =	swait.ge [sflag:s8], $0x1000  }
0x13: {  	s15 =	simm.s32 $0x1A100;
	[sflag:s8] =	ssyncset.done $0x0  }
0x14: {  	s16 =	simm.s32 $0x19100;
	s14 =	simm.s32 $0xFFFFFFFC;
	[sflag:s8] =	ssyncadd.s32 $0xFFFFF000  }
.LBB2_3:
0x15: {  	v0 =	vld [tilespmem:s16+$0xFFFFFF00];
	_ =	sdelay $0x7  }
0x16: {  	v0 =	vld.idx.msk [tilespmem:v0+s4+$0x0], $0xffff;
	_ =	sdelay $0x4  }
0x17: {  	[tilespmem:s15+$0xFFFFFF00] =	vst v0  }
0x18: {  	v0 =	vld [tilespmem:s16+$0xFFFFFF10];
	_ =	sdelay $0x7  }
0x19: {  	v0 =	vld.idx.msk [tilespmem:v0+s4+$0x0], $0xffff;
	_ =	sdelay $0x4  }
0x1a: {  	[tilespmem:s15+$0xFFFFFF10] =	vst v0  }
0x1b: {  	v0 =	vld [tilespmem:s16+$0xFFFFFF20];
	_ =	sdelay $0x7  }
0x1c: {  	v0 =	vld.idx.msk [tilespmem:v0+s4+$0x0], $0xffff;
	_ =	sdelay $0x4  }
0x1d: {  	[tilespmem:s15+$0xFFFFFF20] =	vst v0  }
0x1e: {  	v0 =	vld [tilespmem:s16+$0xFFFFFF30];
	_ =	sdelay $0x7  }
0x1f: {  	v0 =	vld.idx.msk [tilespmem:v0+s4+$0x0], $0xffff;
	_ =	sdelay $0x4  }
0x20: {  	[tilespmem:s15+$0xFFFFFF30] =	vst v0  }
0x21: {  	v0 =	vld [tilespmem:s16+$0xFFFFFF80];
	_ =	sdelay $0x7  }
0x22: {  	v0 =	vld.idx.msk [tilespmem:v0+s4+$0x0], $0xffff;
	_ =	sdelay $0x4  }
0x23: {  	[tilespmem:s15+$0xFFFFFF80] =	vst v0  }
0x24: {  	v0 =	vld [tilespmem:s16+$0xFFFFFF90];
	_ =	sdelay $0x7  }
0x25: {  	v0 =	vld.idx.msk [tilespmem:v0+s4+$0x0], $0xffff;
	_ =	sdelay $0x4  }
0x26: {  	[tilespmem:s15+$0xFFFFFF90] =	vst v0  }
0x27: {  	v0 =	vld [tilespmem:s16+$0xFFFFFFA0];
	_ =	sdelay $0x7  }
0x28: {  	v0 =	vld.idx.msk [tilespmem:v0+s4+$0x0], $0xffff;
	_ =	sdelay $0x4  }
0x29: {  	[tilespmem:s15+$0xFFFFFFA0] =	vst v0  }
0x2a: {  	v0 =	vld [tilespmem:s16+$0xFFFFFFB0];
	_ =	sdelay $0x7  }
0x2b: {  	v0 =	vld.idx.msk [tilespmem:v0+s4+$0x0], $0xffff;
	_ =	sdelay $0x4  }
0x2c: {  	[tilespmem:s15+$0xFFFFFFB0] =	vst v0  }
0x2d: {  	v0 =	vld [tilespmem:s16+$0x0];
	_ =	sdelay $0x7  }
0x2e: {  	v0 =	vld.idx.msk [tilespmem:v0+s4+$0x0], $0xffff;
	_ =	sdelay $0x4  }
0x2f: {  	[tilespmem:s15+$0x0] =	vst v0  }
0x30: {  	v0 =	vld [tilespmem:s16+$0x10];
	_ =	sdelay $0x7  }
0x31: {  	v0 =	vld.idx.msk [tilespmem:v0+s4+$0x0], $0xffff;
	_ =	sdelay $0x4  }
0x32: {  	[tilespmem:s15+$0x10] =	vst v0  }
0x33: {  	v0 =	vld [tilespmem:s16+$0x20];
	_ =	sdelay $0x7  }
0x34: {  	v0 =	vld.idx.msk [tilespmem:v0+s4+$0x0], $0xffff;
	_ =	sdelay $0x4  }
0x35: {  	[tilespmem:s15+$0x20] =	vst v0  }
0x36: {  	v0 =	vld [tilespmem:s16+$0x30];
	_ =	sdelay $0x7  }
0x37: {  	v0 =	vld.idx.msk [tilespmem:v0+s4+$0x0], $0xffff;
	_ =	sdelay $0x4  }
0x38: {  	[tilespmem:s15+$0x30] =	vst v0  }
0x39: {  	v0 =	vld [tilespmem:s16+$0x80];
	_ =	sdelay $0x7  }
0x3a: {  	v0 =	vld.idx.msk [tilespmem:v0+s4+$0x0], $0xffff;
	_ =	sdelay $0x4  }
0x3b: {  	[tilespmem:s15+$0x80] =	vst v0  }
0x3c: {  	v0 =	vld [tilespmem:s16+$0x90];
	_ =	sdelay $0x7  }
0x3d: {  	v0 =	vld.idx.msk [tilespmem:v0+s4+$0x0], $0xffff;
	_ =	sdelay $0x4  }
0x3e: {  	[tilespmem:s15+$0x90] =	vst v0  }
0x3f: {  	v0 =	vld [tilespmem:s16+$0xA0];
	_ =	sdelay $0x7  }
0x40: {  	v0 =	vld.idx.msk [tilespmem:v0+s4+$0x0], $0xffff;
	_ =	sdelay $0x4  }
0x41: {  	[tilespmem:s15+$0xA0] =	vst v0  }
0x42: {  	v0 =	vld [tilespmem:s16+$0xB0];
	_ =	sdelay $0x6  }
0x43: {  	s14 =	sadd.s32 $0x4, s14  }
0x44: {  	p0 =	slt.u32 s14, $0x1C;
	v0 =	vld.idx.msk [tilespmem:v0+s4+$0x0], $0xffff  }
.Ltmp0:
0x45: {  	_ = 	snop;
	(pc) =	sbr.rel @p0 .LBB2_3-.Ltmp0, $2  }
0x46: {  	_ =	sdelay $0x2  }
0x47: {  	s16 =	sadd.s32 $0x200, s16;
	[tilespmem:s15+$0xB0] =	vst v0;
	s15 =	sadd.s32 $0x200, s15  }
0x48: {  	s12 =	sadd.s32 $0x1, s12  }
0x49: {  	p0 =	sne.s32 s12, $0x10  }
.Ltmp1:
0x4a: {  	s13 =	sadd.s32 s3, s13;
	(pc) =	sbr.rel @p0 .LBB2_2-.Ltmp1, $4  }
0x4b: {  	[hbm4b:s13+s4] =	stream.linear.scatter [tilespmem:s10], [sflag:$0x1], $0x1000, $0x38;
	[tilespmem:$0x1B000] =	vst v63  }
0x4c: {  	_ =	swait.ge [sflag:s8], $0x1000  }
0x4d: {  	[sflag:s8] =	ssyncset.done $0x0  }
0x4e: {  	[sflag:s8] =	ssyncadd.s32 $0xFFFFF000  }
0x4f: {  	s11 =	sadd.s32 $0x1, s11  }
0x50: {  	p0 =	sne.s32 s11, s7  }
.Ltmp2:
0x51: {  	_ = 	snop;
	(pc) =	sbr.rel @p0 .LBB2_1-.Ltmp2, $1  }
0x52: {  	_ =	sdelay $0x3  }
0x53: {  	_ =	sfence.sel $0x180000  }
0x54: {  	[bflag:$0x0] =	sbarrier.arrive $0xFFFF  }
0x55: {  	p0 =	sne.s32 s5, $0x0;
	_ =	strace $0x90000047  }
0x56: {  	s0 =	sadd.s32 @!p0 $0x100000, s0;
	[bflag:$0x2] =	sbarrier.arrive $0xFFFF  }
0x57: {  	[sflag:s0] =	ssyncadd.tile.s32 @!p0 $0x1;
	_ =	shalt  }
.Lfunc_end2:
_tile_overlayer_lowered:
.L_overlay_start_2:
0x58: {  	(tag) =	ssettag $0x2  }
0x59: {  	s0 =	rddreg [dreg:$0x0];
	s2 =	stileid.u32  }
0x5a: {  	s1 =	rddreg [dreg:$0x1];
	p0 =	sne.s32 s2, $0x0  }
0x5b: {  	s3 =	rddreg [dreg:$0x2];
	[bflag:$0x3] =	sbarrier.arrive $0xFFFF;
	s2 =	simm.s32 @!p0 $0x1C01  }
0x5c: {  	[timem:s3], [sflag:s2] =	dma.local @!p0 [hbm:s0], s1  }
0x5d: {  	s0 =	simm.s32 @!p0 $0x1  }
0x5e: {  	_ =	swait.ge @!p0 [sflag:s0], s1  }
0x5f: {  	s1 =	ssub.s32 @!p0 $0x0, s1;
	[sflag:s0] =	ssyncset.done @!p0 $0x0  }
0x60: {  	[sflag:s0] =	ssyncadd.s32 @!p0 s1  }
0x61: {  	[bflag:$0x3] =	sbarrier.arrive $0xFFFF  }
0x62: {  	_ =	shalt  }

</sc_bundles>
